<compile_context>
chip_gen: v7x
topology: tpu7x:2x2x1
jax: 0.10.2.dev20260603
libtpu: 0.0.44.dev20260713+nightly
codegen_flags: <defaults>
</compile_context>

<pallas_src>
import functools

import jax
import jax.numpy as jnp
from jax import lax
from jax.experimental import pallas as pl
from jax.experimental.pallas import tpu as pltpu
from jax.experimental.pallas import tpu_sc as plsc

_NUM_EMB = 1024
_DIM = 64
_COMMIT = 0.25
_B = 16
_F = 576
_TOKENS = _B * _F
_BLK = 2304
_G = _TOKENS // _BLK


def _tc_distance_argmin(z_ref, e_ref, idx_ref, loss_ref, e2_ref, iota_ref):
    i = pl.program_id(0)
    z = z_ref[...]
    e = e_ref[...]

    @pl.when(i == 0)
    def _prep():
        e2_ref[...] = jnp.sum(e * e, axis=1)
        iota_ref[...] = lax.broadcasted_iota(
            jnp.int32, (1, _NUM_EMB), 1).astype(jnp.float32)
        loss_ref[0, 0] = 0.0

    m = lax.dot_general(z * (-2.0), e, (((1,), (1,)), ((), ())),
                        preferred_element_type=jnp.float32)
    z2 = jnp.sum(z * z, axis=1, keepdims=True)
    d = (z2 + m) + e2_ref[...][None, :]
    mind = jnp.min(d, axis=1, keepdims=True)
    idxf = jnp.min(jnp.where(d == mind, iota_ref[...], float(_NUM_EMB)),
                   axis=1)
    idx_ref[pl.ds(i * _BLK, _BLK)] = idxf.astype(jnp.int32)
    loss_ref[0, 0] += jnp.sum(mind)

    @pl.when(i == _G - 1)
    def _fin():
        loss_ref[0, 0] *= _COMMIT / (_TOKENS * _DIM)


_tc_call = pl.pallas_call(
    _tc_distance_argmin,
    grid=(_G,),
    compiler_params=pltpu.CompilerParams(allow_input_fusion=[True, True]),
    in_specs=[
        pl.BlockSpec((_BLK, _DIM), lambda i: (i, 0)),
        pl.BlockSpec((_NUM_EMB, _DIM), lambda i: (0, 0)),
    ],
    out_specs=[
        pl.BlockSpec((_TOKENS,), lambda i: (0,)),
        pl.BlockSpec((1, 1), lambda i: (0, 0), memory_space=pltpu.SMEM),
    ],
    out_shape=[
        jax.ShapeDtypeStruct((_TOKENS,), jnp.int32),
        jax.ShapeDtypeStruct((1, 1), jnp.float32),
    ],
    scratch_shapes=[pltpu.VMEM((_NUM_EMB,), jnp.float32),
                    pltpu.VMEM((1, _NUM_EMB), jnp.float32)],
)


@functools.lru_cache(maxsize=None)
def _make_sc_gather(nc, ns):
    nw = nc * ns
    b_per_w = _TOKENS // nw
    mesh = plsc.VectorSubcoreMesh(core_axis_name="c", subcore_axis_name="s",
                                  num_cores=nc, num_subcores=ns)

    @functools.partial(
        pl.kernel,
        mesh=mesh,
        compiler_params=pltpu.CompilerParams(use_tc_tiling_on_sc=False),
        out_type=jax.ShapeDtypeStruct((_B, _F, _DIM), jnp.float32),
        scratch_types=[
            pltpu.VMEM((b_per_w,), jnp.int32),
            pltpu.VMEM((b_per_w, _DIM), jnp.float32),
            pltpu.SemaphoreType.DMA,
        ],
    )
    def _gather(e_hbm, idx_hbm, out_hbm, idx_v, rows_v, sem):
        wid = lax.axis_index("s") * nc + lax.axis_index("c")
        row = (wid * b_per_w) // _F
        col = (wid * b_per_w) % _F
        pltpu.sync_copy(idx_hbm.at[pl.ds(wid * b_per_w, b_per_w)], idx_v)
        pltpu.async_copy(e_hbm.at[idx_v], rows_v, sem).wait()
        pltpu.sync_copy(rows_v, out_hbm.at[row, pl.ds(col, b_per_w), :])

    return _gather


def kernel(z, embedding):
    b, f, dim = z.shape
    idx, loss = _tc_call(z.reshape(-1, dim), embedding)
    info = plsc.get_sparse_core_info()
    zq = _make_sc_gather(1, info.num_subcores)(embedding, idx)
    return zq, idx.reshape(b, f), loss[0, 0]

# --- scband reference (transcript-rebuilt; emitter-appended) ---
"""Pipeline reference for scband-simple-vector-quantizer-21483426415069 (READ-ONLY COPY).

The authoritative reference and input builder live on the scoring server;
editing this copy changes nothing except your own understanding.
"""

import jax, jax.numpy as jnp
import numpy as np

NUM_EMBEDDINGS = 1024
EMBEDDING_DIM = 64
COMMITMENT_COST = 0.25


def setup_inputs(seed: int = 0) -> dict:
    key = jax.random.key(seed)
    k1, k2 = jax.random.split(key)
    z = jax.random.normal(k1, (16, 576, 64), dtype=jnp.float32)
    embedding = jax.random.normal(k2, (NUM_EMBEDDINGS, EMBEDDING_DIM), dtype=jnp.float32) * (1.0 / EMBEDDING_DIM ** 0.5)
    return {"z": z, "embedding": embedding}


def reference(z, embedding):
    batch_size, frames, dim = z.shape
    flat_z = z.reshape(-1, dim)
    distances = (
        jnp.sum(flat_z ** 2, axis=1, keepdims=True)
        - 2.0 * flat_z @ embedding.T
        + jnp.sum(embedding ** 2, axis=1)
    )
    indices = jnp.argmin(distances, axis=1)
    z_q = jnp.take(embedding, indices, axis=0).reshape(batch_size, frames, dim)
    commitment_loss = jnp.mean((jax.lax.stop_gradient(z_q) - z) ** 2)
    vq_loss = commitment_loss * COMMITMENT_COST
    z_q_st = z + jax.lax.stop_gradient(z_q - z)
    return (z_q_st, indices.reshape(batch_size, frames), vq_loss)

if __name__ == "__main__":
    import jax
    _d = setup_inputs()
    print(jax.jit(kernel)(*tuple(_d.values())))

</pallas_src>

<mosaic_0001>
#map = affine_map<(d0, d1) -> (0, 0)>
#map1 = affine_map<(d0, d1) -> (0)>
#map2 = affine_map<(d0, d1) -> (0, 0, 0)>
module attributes {stable_mosaic.version = 14 : i64} {
  func.func @_gather(%arg0: i32, %arg1: i32, %arg2: memref<1024x64xf32, #tpu.memory_space<hbm>>, %arg3: memref<9216xi32, #tpu.memory_space<hbm>>, %arg4: memref<16x576x64xf32, #tpu.memory_space<hbm>>, %arg5: memref<576xi32, #tpu.memory_space<vmem>>, %arg6: memref<576x64xf32, #tpu.memory_space<vmem>>, %arg7: memref<!tpu.dma_semaphore, #tpu.memory_space<semaphore_mem>>) attributes {dimension_semantics = [#tpu.dimension_semantics<core_parallel>, #tpu.dimension_semantics<subcore_parallel>], iteration_bounds = array<i64: 1, 16>, scalar_prefetch = 0 : i64, scratch_operands = 3 : i64, tpu.core_type = #tpu.core_type<sc_vector_subcore>, window_params = [{transform_indices = #map}, {transform_indices = #map1}, {transform_indices = #map2}]} {
    %mul3A = arith.constant 1 : i32
    %mul3A_0 = arith.muli %arg1, %mul3A : i32
    %add3A = arith.addi %mul3A_0, %arg0 : i32
    %mul3A_1 = arith.constant 576 : i32
    %mul3A_2 = arith.muli %add3A, %mul3A_1 : i32
    %jit3A = arith.constant 576 : i32
    %div3A = arith.divsi %mul3A_2, %jit3A : i32
    %sign3A = arith.constant 0 : i32
    %sign3A_3 = arith.cmpi sgt, %mul3A_2, %sign3A : i32
    %sign3A_4 = arith.extui %sign3A_3 : i1 to i32
    %sign3A_5 = arith.constant 0 : i32
    %sign3A_6 = arith.cmpi slt, %mul3A_2, %sign3A_5 : i32
    %sign3A_7 = arith.extui %sign3A_6 : i1 to i32
    %sign3A_8 = arith.subi %sign3A_4, %sign3A_7 : i32
    %sign3A_9 = arith.constant 0 : i32
    %sign3A_10 = arith.cmpi sgt, %jit3A, %sign3A_9 : i32
    %sign3A_11 = arith.extui %sign3A_10 : i1 to i32
    %sign3A_12 = arith.constant 0 : i32
    %sign3A_13 = arith.cmpi slt, %jit3A, %sign3A_12 : i32
    %sign3A_14 = arith.extui %sign3A_13 : i1 to i32
    %sign3A_15 = arith.subi %sign3A_11, %sign3A_14 : i32
    %ne3A = arith.cmpi ne, %sign3A_8, %sign3A_15 : i32
    %rem3A = arith.remsi %mul3A_2, %jit3A : i32
    %ne3A_16 = arith.constant 0 : i32
    %ne3A_17 = arith.cmpi ne, %rem3A, %ne3A_16 : i32
    %and3A = arith.andi %ne3A, %ne3A_17 : i1
    %sub3A = arith.constant 1 : i32
    %sub3A_18 = arith.subi %div3A, %sub3A : i32
    %select_n3A = arith.select %and3A, %sub3A_18, %div3A : i32
    %mul3A_19 = arith.constant 576 : i32
    %mul3A_20 = arith.muli %add3A, %mul3A_19 : i32
    %jit3A_21 = arith.constant 576 : i32
    %eq3A = arith.constant 0 : i32
    %eq3A_22 = arith.cmpi eq, %jit3A_21, %eq3A : i32
    %jit3A_23 = arith.constant 1 : i32
    %select_n3A_24 = arith.select %eq3A_22, %jit3A_23, %jit3A_21 : i32
    %rem3A_25 = arith.remsi %mul3A_20, %select_n3A_24 : i32
    %ne3A_26 = arith.constant 0 : i32
    %ne3A_27 = arith.cmpi ne, %rem3A_25, %ne3A_26 : i32
    %lt3A = arith.constant 0 : i32
    %lt3A_28 = arith.cmpi slt, %rem3A_25, %lt3A : i32
    %lt3A_29 = arith.constant 0 : i32
    %lt3A_30 = arith.cmpi slt, %select_n3A_24, %lt3A_29 : i32
    %ne3A_31 = arith.xori %lt3A_28, %lt3A_30 : i1
    %and3A_32 = arith.andi %ne3A_31, %ne3A_27 : i1
    %add3A_33 = arith.addi %rem3A_25, %select_n3A_24 : i32
    %select_n3A_34 = arith.select %and3A_32, %add3A_33, %rem3A_25 : i32
    %mul3A_35 = arith.constant 576 : i32
    %mul3A_36 = arith.muli %add3A, %mul3A_35 : i32
    "tpu.region"() ({
      %run_scoped3A = tpu.sem_alloc : memref<!tpu.dma_semaphore, #tpu.memory_space<semaphore_mem>>
      %dma_start3A_41 = tpu.memref_slice %arg3[%mul3A_36] : memref<9216xi32, #tpu.memory_space<hbm>> -> memref<576xi32, #tpu.memory_space<hbm>>
      %dma_start3A_42 = tpu.memref_slice %arg3[%mul3A_36] : memref<9216xi32, #tpu.memory_space<hbm>> -> memref<576xi32, #tpu.memory_space<hbm>>
      tpu.enqueue_dma source(%dma_start3A_42 : memref<576xi32, #tpu.memory_space<hbm>>) target(%arg5 : memref<576xi32, #tpu.memory_space<vmem>>) target_semaphore(%run_scoped3A : memref<!tpu.dma_semaphore, #tpu.memory_space<semaphore_mem>>)
      %dma_wait3A_43 = tpu.memref_slice %arg3[%mul3A_36] : memref<9216xi32, #tpu.memory_space<hbm>> -> memref<576xi32, #tpu.memory_space<hbm>>
      %dma_wait3A_44 = tpu.memref_slice %arg3[%mul3A_36] : memref<9216xi32, #tpu.memory_space<hbm>> -> memref<576xi32, #tpu.memory_space<hbm>>
      tpu.wait_dma2 semaphore(%run_scoped3A : memref<!tpu.dma_semaphore, #tpu.memory_space<semaphore_mem>>) src(%dma_wait3A_44 : memref<576xi32, #tpu.memory_space<hbm>>) dst(%arg5 : memref<576xi32, #tpu.memory_space<vmem>>)
      tpu.yield
    }) : () -> ()
    %dma_start3A = arith.constant 0 : i32
    %dma_start3A_37 = arith.constant 0 : i32
    %dma_start3A_38 = tpu.memref_slice %arg2[%dma_start3A, %dma_start3A_37] : memref<1024x64xf32, #tpu.memory_space<hbm>> -> memref<1024x64xf32, #tpu.memory_space<hbm>>
    tpu.enqueue_indirect_dma source(%dma_start3A_38 : memref<1024x64xf32, #tpu.memory_space<hbm>>) target(%arg6 : memref<576x64xf32, #tpu.memory_space<vmem>>) offsets(%arg5 : memref<576xi32, #tpu.memory_space<vmem>>) semaphore(%arg7 : memref<!tpu.dma_semaphore, #tpu.memory_space<semaphore_mem>>)
    %dma_wait3A = arith.constant 0 : i32
    %dma_wait3A_39 = arith.constant 0 : i32
    %dma_wait3A_40 = tpu.memref_slice %arg2[%dma_wait3A, %dma_wait3A_39] : memref<1024x64xf32, #tpu.memory_space<hbm>> -> memref<1024x64xf32, #tpu.memory_space<hbm>>
    tpu.wait_indirect_dma semaphore(%arg7 : memref<!tpu.dma_semaphore, #tpu.memory_space<semaphore_mem>>) src(%dma_wait3A_40 : memref<1024x64xf32, #tpu.memory_space<hbm>>) dst(%arg6 : memref<576x64xf32, #tpu.memory_space<vmem>>)
    "tpu.region"() ({
      %run_scoped3A = tpu.sem_alloc : memref<!tpu.dma_semaphore, #tpu.memory_space<semaphore_mem>>
      %dma_start3A_41 = arith.constant 0 : i32
      %dma_start3A_42 = tpu.memref_slice %arg4[%select_n3A, %select_n3A_34, %dma_start3A_41] : memref<16x576x64xf32, #tpu.memory_space<hbm>> -> memref<1x576x64xf32, #tpu.memory_space<hbm>>
      %dma_start3A_43 = tpu.memref_squeeze %dma_start3A_42 : memref<1x576x64xf32, #tpu.memory_space<hbm>> -> memref<576x64xf32, #tpu.memory_space<hbm>>
      %dma_start3A_44 = arith.constant 0 : i32
      %dma_start3A_45 = tpu.memref_slice %arg4[%select_n3A, %select_n3A_34, %dma_start3A_44] : memref<16x576x64xf32, #tpu.memory_space<hbm>> -> memref<1x576x64xf32, #tpu.memory_space<hbm>>
      %dma_start3A_46 = tpu.memref_squeeze %dma_start3A_45 : memref<1x576x64xf32, #tpu.memory_space<hbm>> -> memref<576x64xf32, #tpu.memory_space<hbm>>
      tpu.enqueue_dma source(%arg6 : memref<576x64xf32, #tpu.memory_space<vmem>>) target(%dma_start3A_46 : memref<576x64xf32, #tpu.memory_space<hbm>>) target_semaphore(%run_scoped3A : memref<!tpu.dma_semaphore, #tpu.memory_space<semaphore_mem>>)
      %dma_wait3A_47 = arith.constant 0 : i32
      %dma_wait3A_48 = tpu.memref_slice %arg4[%select_n3A, %select_n3A_34, %dma_wait3A_47] : memref<16x576x64xf32, #tpu.memory_space<hbm>> -> memref<1x576x64xf32, #tpu.memory_space<hbm>>
      %dma_wait3A_49 = tpu.memref_squeeze %dma_wait3A_48 : memref<1x576x64xf32, #tpu.memory_space<hbm>> -> memref<576x64xf32, #tpu.memory_space<hbm>>
      %dma_wait3A_50 = arith.constant 0 : i32
      %dma_wait3A_51 = tpu.memref_slice %arg4[%select_n3A, %select_n3A_34, %dma_wait3A_50] : memref<16x576x64xf32, #tpu.memory_space<hbm>> -> memref<1x576x64xf32, #tpu.memory_space<hbm>>
      %dma_wait3A_52 = tpu.memref_squeeze %dma_wait3A_51 : memref<1x576x64xf32, #tpu.memory_space<hbm>> -> memref<576x64xf32, #tpu.memory_space<hbm>>
      tpu.wait_dma2 semaphore(%run_scoped3A : memref<!tpu.dma_semaphore, #tpu.memory_space<semaphore_mem>>) src(%arg6 : memref<576x64xf32, #tpu.memory_space<vmem>>) dst(%dma_wait3A_52 : memref<576x64xf32, #tpu.memory_space<hbm>>)
      tpu.yield
    }) : () -> ()
    return
  }
}

module attributes {stable_mosaic.version = 14 : i64} {
  func.func @_tc_distance_argmin(%arg0: i32, %arg1: memref<2304x64xf32, #tpu.memory_space<vmem>>, %arg2: memref<1024x64xf32, #tpu.memory_space<vmem>>, %arg3: memref<9216xi32, #tpu.memory_space<vmem>>, %arg4: memref<1x1xf32, #tpu.memory_space<smem>>, %arg5: memref<1024xf32, #tpu.memory_space<vmem>>, %arg6: memref<1x1024xf32, #tpu.memory_space<vmem>>) attributes {dimension_semantics = [#tpu.dimension_semantics<arbitrary>], iteration_bounds = array<i64: 4>, scalar_prefetch = 0 : i64, scratch_operands = 2 : i64, tpu.core_type = #tpu.core_type<tc>, window_params = [{transform_indices = @transform_0, window_bounds = array<i64: 2304, 64>}, {pipeline_mode = #tpu.pipeline_mode<synchronous>, transform_indices = @transform_1, window_bounds = array<i64: 1024, 64>}, {pipeline_mode = #tpu.pipeline_mode<synchronous>, transform_indices = @transform_2, window_bounds = array<i64: 9216>}, {transform_indices = @transform_3, window_bounds = array<i64: 1, 1>}]} {
    %get3A = arith.constant 0 : index
    %get3A_0 = arith.constant 0 : index
    %get3A_1 = vector.load %arg1[%get3A, %get3A_0] : memref<2304x64xf32, #tpu.memory_space<vmem>>, vector<2304x64xf32>
    %get3A_2 = arith.constant 0 : index
    %get3A_3 = arith.constant 0 : index
    %get3A_4 = vector.load %arg2[%get3A_2, %get3A_3] : memref<1024x64xf32, #tpu.memory_space<vmem>>, vector<1024x64xf32>
    %eq3A = arith.constant 0 : i32
    %eq3A_5 = arith.cmpi eq, %arg0, %eq3A : i32
    %convert_element_type3A = arith.extui %eq3A_5 : i1 to i32
    %cond3A = arith.constant 0 : i32
    %cond3A_6 = arith.cmpi ne, %convert_element_type3A, %cond3A : i32
    scf.if %cond3A_6 {
      %mul3A_51 = arith.mulf %get3A_4, %get3A_4 : vector<1024x64xf32>
      %reduce_sum3A_52 = arith.constant dense<0.000000e+00> : vector<1024xf32>
      %reduce_sum3A_53 = vector.multi_reduction <add>, %mul3A_51, %reduce_sum3A_52 [1] : vector<1024x64xf32> to vector<1024xf32>
      %swap3A_54 = arith.constant 0 : index
      %swap3A_55 = vector.load %arg5[%swap3A_54] : memref<1024xf32, #tpu.memory_space<vmem>>, vector<1024xf32>
      tpu.vector_store %arg5[%swap3A_54], %reduce_sum3A_53 {strides = array<i32>} : memref<1024xf32, #tpu.memory_space<vmem>>, vector<1024xf32>,
      %iota3A = tpu.iota {dimensions = array<i32: 1>} : vector<1x1024xi32>
      %convert_element_type3A_56 = arith.sitofp %iota3A : vector<1x1024xi32> to vector<1x1024xf32>
      %swap3A_57 = arith.constant 0 : index
      %swap3A_58 = arith.constant 0 : index
      %swap3A_59 = vector.load %arg6[%swap3A_57, %swap3A_58] : memref<1x1024xf32, #tpu.memory_space<vmem>>, vector<1x1024xf32>
      tpu.vector_store %arg6[%swap3A_57, %swap3A_58], %convert_element_type3A_56 {strides = array<i32>} : memref<1x1024xf32, #tpu.memory_space<vmem>>, vector<1x1024xf32>,
      %swap3A_60 = arith.constant 0.000000e+00 : f32
      %swap3A_61 = arith.constant 0 : index
      %swap3A_62 = arith.constant 0 : index
      %swap3A_63 = memref.load %arg4[%swap3A_61, %swap3A_62] : memref<1x1xf32, #tpu.memory_space<smem>>
      memref.store %swap3A_60, %arg4[%swap3A_61, %swap3A_62] : memref<1x1xf32, #tpu.memory_space<smem>>
    } else {
    }
    %mul3A = arith.constant -2.000000e+00 : f32
    %mul3A_7 = vector.broadcast %mul3A : f32 to vector<2304x64xf32>
    %mul3A_8 = arith.mulf %get3A_1, %mul3A_7 : vector<2304x64xf32>
    %dot_general3A = arith.constant dense<0.000000e+00> : vector<2304x1024xf32>
    %dot_general3A_9 = tpu.matmul %mul3A_8, %get3A_4, %dot_general3A {dimension_numbers = #tpu.dot_dimension_numbers<[1], [1], [0], [0], [0, 0, 1, 0], [], []>, transpose_lhs_hint = false} : vector<2304x64xf32>, vector<1024x64xf32>, vector<2304x1024xf32> -> vector<2304x1024xf32>
    %mul3A_10 = arith.mulf %get3A_1, %get3A_1 : vector<2304x64xf32>
    %reduce_sum3A = arith.constant dense<0.000000e+00> : vector<2304xf32>
    %reduce_sum3A_11 = vector.multi_reduction <add>, %mul3A_10, %reduce_sum3A [1] : vector<2304x64xf32> to vector<2304xf32>
    %broadcast_in_dim3A = vector.shape_cast %reduce_sum3A_11 : vector<2304xf32> to vector<2304x1xf32>
    %add3A = vector.broadcast %broadcast_in_dim3A : vector<2304x1xf32> to vector<2304x1024xf32>
    %add3A_12 = arith.addf %add3A, %dot_general3A_9 : vector<2304x1024xf32>
    %get3A_13 = arith.constant 0 : index
    %get3A_14 = vector.load %arg5[%get3A_13] : memref<1024xf32, #tpu.memory_space<vmem>>, vector<1024xf32>
    %broadcast_in_dim3A_15 = vector.shape_cast %get3A_14 : vector<1024xf32> to vector<1x1024xf32>
    %add3A_16 = vector.broadcast %broadcast_in_dim3A_15 : vector<1x1024xf32> to vector<2304x1024xf32>
    %add3A_17 = arith.addf %add3A_12, %add3A_16 : vector<2304x1024xf32>
    %reduce_min3A = arith.constant dense<0x7F800000> : vector<2304xf32>
    %reduce_min3A_18 = vector.multi_reduction <minimumf>, %add3A_17, %reduce_min3A [1] : vector<2304x1024xf32> to vector<2304xf32>
    %broadcast_in_dim3A_19 = vector.shape_cast %reduce_min3A_18 : vector<2304xf32> to vector<2304x1xf32>
    %eq3A_20 = vector.broadcast %broadcast_in_dim3A_19 : vector<2304x1xf32> to vector<2304x1024xf32>
    %eq3A_21 = arith.cmpf oeq, %add3A_17, %eq3A_20 : vector<2304x1024xf32>
    %get3A_22 = arith.constant 0 : index
    %get3A_23 = arith.constant 0 : index
    %get3A_24 = vector.load %arg6[%get3A_22, %get3A_23] : memref<1x1024xf32, #tpu.memory_space<vmem>>, vector<1x1024xf32>
    %jit3A = arith.constant 1.024000e+03 : f32
    %broadcast_in_dim3A_25 = vector.shape_cast %get3A_24 : vector<1x1024xf32> to vector<1x1024xf32>
    %broadcast_in_dim3A_26 = vector.broadcast %broadcast_in_dim3A_25 : vector<1x1024xf32> to vector<2304x1024xf32>
    %broadcast_in_dim3A_27 = vector.broadcast %jit3A : f32 to vector<2304x1024xf32>
    %select_n3A = arith.select %eq3A_21, %broadcast_in_dim3A_26, %broadcast_in_dim3A_27 : vector<2304x1024xi1>, vector<2304x1024xf32>
    %reduce_min3A_28 = arith.constant dense<0x7F800000> : vector<2304xf32>
    %reduce_min3A_29 = vector.multi_reduction <minimumf>, %select_n3A, %reduce_min3A_28 [1] : vector<2304x1024xf32> to vector<2304xf32>
    %convert_element_type3A_30 = arith.fptosi %reduce_min3A_29 : vector<2304xf32> to vector<2304xi32>
    %mul3A_31 = arith.constant 2304 : i32
    %mul3A_32 = arith.muli %arg0, %mul3A_31 : i32
    %swap3A = arith.index_cast %mul3A_32 : i32 to index
    %swap3A_33 = vector.load %arg3[%swap3A] : memref<9216xi32, #tpu.memory_space<vmem>>, vector<2304xi32>
    tpu.vector_store %arg3[%swap3A], %convert_element_type3A_30 {strides = array<i32>} : memref<9216xi32, #tpu.memory_space<vmem>>, vector<2304xi32>,
    %get3A_34 = arith.constant 0 : index
    %get3A_35 = arith.constant 0 : index
    %get3A_36 = memref.load %arg4[%get3A_34, %get3A_35] : memref<1x1xf32, #tpu.memory_space<smem>>
    %reduce_sum3A_37 = vector.shape_cast %broadcast_in_dim3A_19 : vector<2304x1xf32> to vector<1x2304x1xf32>
    %reduce_sum3A_38 = arith.constant dense<0.000000e+00> : vector<1xf32>
    %reduce_sum3A_39 = vector.multi_reduction <add>, %reduce_sum3A_37, %reduce_sum3A_38 [1, 2] : vector<1x2304x1xf32> to vector<1xf32>
    %reduce_sum3A_40 = vector.shape_cast %reduce_sum3A_39 : vector<1xf32> to vector<1x1x1xf32>
    %reduce_sum3A_41 = vector.extract %reduce_sum3A_40[0, 0, 0] : f32 from vector<1x1x1xf32>
    %add3A_42 = arith.addf %get3A_36, %reduce_sum3A_41 : f32
    %swap3A_43 = arith.constant 0 : index
    %swap3A_44 = arith.constant 0 : index
    %swap3A_45 = memref.load %arg4[%swap3A_43, %swap3A_44] : memref<1x1xf32, #tpu.memory_space<smem>>
    memref.store %add3A_42, %arg4[%swap3A_43, %swap3A_44] : memref<1x1xf32, #tpu.memory_space<smem>>
    %eq3A_46 = arith.constant 3 : i32
    %eq3A_47 = arith.cmpi eq, %arg0, %eq3A_46 : i32
    %convert_element_type3A_48 = arith.extui %eq3A_47 : i1 to i32
    %cond3A_49 = arith.constant 0 : i32
    %cond3A_50 = arith.cmpi ne, %convert_element_type3A_48, %cond3A_49 : i32
    scf.if %cond3A_50 {
      %get3A_51 = arith.constant 0 : index
      %get3A_52 = arith.constant 0 : index
      %get3A_53 = memref.load %arg4[%get3A_51, %get3A_52] : memref<1x1xf32, #tpu.memory_space<smem>>
      %mul3A_54 = arith.constant 4.23855255E-7 : f32
      %mul3A_55 = arith.mulf %get3A_53, %mul3A_54 : f32
      %swap3A_56 = arith.constant 0 : index
      %swap3A_57 = arith.constant 0 : index
      %swap3A_58 = memref.load %arg4[%swap3A_56, %swap3A_57] : memref<1x1xf32, #tpu.memory_space<smem>>
      memref.store %mul3A_55, %arg4[%swap3A_56, %swap3A_57] : memref<1x1xf32, #tpu.memory_space<smem>>
    } else {
    }
    return
  }
  func.func @transform_0(%arg0: i32) -> (i32, i32) {
    %c0_i32 = arith.constant 0 : i32
    %c0_i32_0 = arith.constant 0 : i32
    return %arg0, %c0_i32 : i32, i32
  }
  func.func @transform_1(%arg0: i32) -> (i32, i32) {
    %c0_i32 = arith.constant 0 : i32
    %c0_i32_0 = arith.constant 0 : i32
    %c0_i32_1 = arith.constant 0 : i32
    return %c0_i32, %c0_i32_0 : i32, i32
  }
  func.func @transform_2(%arg0: i32) -> i32 {
    %c0_i32 = arith.constant 0 : i32
    %c0_i32_0 = arith.constant 0 : i32
    return %c0_i32 : i32
  }
  func.func @transform_3(%arg0: i32) -> (i32, i32) {
    %c0_i32 = arith.constant 0 : i32
    %c0_i32_0 = arith.constant 0 : i32
    %c0_i32_1 = arith.constant 0 : i32
    return %c0_i32, %c0_i32_0 : i32, i32
  }
}

</mosaic_0001>

<sc_bundles>
// kernel: kernel.4.cloned.1.call-start
scs
__scs_entry_jumppad:
0x0: {  	(pc) =	sbr.rel $0x88, $3  }
0x1: {  	(tag) =	ssettag $0x0;
	lr =	simm.s32 $0x1  }
0x2: {  	[smem:$0x3F9F] =	sst lr;
	_ =	strace $0xD0000000  }
0x3: {  	_ = 	snop  }
0x4: {  	_ = 	snop  }
0x5: {  	_ = 	snop  }
0x6: {  	_ = 	snop  }
0x7: {  	_ = 	snop  }
__scs_overlays_trampoline_lowered:
0x8: {  	[smem:$0x3FAE] =	sst s0  }
0x9: {  	[smem:$0x3FAF] =	sst s1  }
0xa: {  	[smem:$0x3FB0] =	sst s2  }
0xb: {  	[smem:$0x3FB1] =	sst s3  }
0xc: {  	[smem:$0x3FB2] =	sst s4  }
0xd: {  	[smem:$0x3FB3] =	sst s5  }
0xe: {  	[smem:$0x3FB4] =	sst s6  }
0xf: {  	[smem:$0x3FB5] =	sst s7  }
0x10: {  	[smem:$0x3FB6] =	sst s8  }
0x11: {  	[smem:$0x3FB7] =	sst s9;
	s0 =	simm.s32 @!p0 $0x0  }
0x12: {  	s1 =	sld [smem:$0x3F9D];
	s0 =	simm.s32 @p0 $0x1  }
0x13: {  	[smem:$0x3FB8] =	sst s0;
	s0 =	simm.s32 @!p1 $0x0  }
0x14: {  	s2 =	sld [smem:$0x3F9C];
	s0 =	simm.s32 @p1 $0x1  }
0x15: {  	[smem:$0x3FB9] =	sst s0;
	s0 =	simm.s32 @!p2 $0x0  }
0x16: {  	s3 =	sld [smem:$0x3FDB];
	s0 =	simm.s32 @p2 $0x1  }
0x17: {  	s4 =	simm.s32 $0x1BF5;
	[smem:$0x3FBB] =	sst s0  }
0x18: {  	s0 =	sld [smem:$0x3F9E];
	_ =	swait.ge [sflag:s4], $0x0  }
0x19: {  	s7 =	sld [smem:$0x3F9F]  }
0x1a: {  	s8 =	sadd.s32 $0xFFFFE003, lr  }
0x1b: {  	s9 =	sadd.s32 $0xFFFFFEF7, lr;
	s5 =	simm.s32 $0xFFFFFFFF;
	p2 =	slt.u32 s8, $0xFFFFF086  }
0x1c: {  	p1 =	slt.u32 s9, $0xF7A;
	s5 =	simm.s32 @!p2 $0x0  }
0x1d: {  	s5 =	simm.s32 @p1 $0x1;
	p0 =	seq.s32 s7, s2  }
0x1e: {  	s7 =	smul.u32 @!p0 $0xF7A, s2;
	p2 =	seq.s32 @!p0 s5, $0x0  }
0x1f: {  	s9 =	smul.u32 $0xF7A, s1;
	s8 =	simm.s32 @!p0 $0x1BF5;
	p2 =	por !p2, p0  }
0x20: {  	[sflag:s8] =	ssyncset.s32 @!p0 $0xFFFFF086;
	s6 =	sadd.s32 @!p0 s3, s7;
	s7 =	simm.s32 @!p0 $0x108  }
0x21: {  	s3 =	sadd.s32 s3, s9;
	s6 =	sadd.s32 @!p0 $0x88, s6;
	s7 =	simm.s32 @p2 $0x1082  }
0x22: {  	[simem:s7], [sflag:s8] =	dma.local @!p0 [hbm:s6], $0xF7A  }
0x23: {  	s9 =	sor.u32 $0xD0000000, s2;
	s6 =	simm.s32 $0x108;
	_ =	swait.ge @!p0 [sflag:s8], $0x0  }
0x24: {  	s3 =	sadd.s32 $0x88, s3;
	s6 =	simm.s32 @!p1 $0x1082;
	[sflag:s4] =	ssyncset.s32 $0xFFFFF086  }
0x25: {  	[simem:s6], [sflag:s4] =	dma.local [hbm:s3], $0xF7A  }
0x26: {  	[smem:$0x3F9F] =	sst s1;
	(tag) =	ssettag s2;
	_ =	strace s9  }
0x27: {  	s1 =	sld [smem:$0x3FAF]  }
0x28: {  	s2 =	sld [smem:$0x3FB0]  }
0x29: {  	s4 =	sld [smem:$0x3FB2]  }
0x2a: {  	p0 =	seq.s32 s5, $0x0;
	s5 =	sld [smem:$0x3FB3]  }
0x2b: {  	s6 =	sld [smem:$0x3FB4]  }
0x2c: {  	s7 =	sld [smem:$0x3FB5]  }
0x2d: {  	s3 =	simm.s32 $0x108;
	s8 =	sld [smem:$0x3FB6]  }
0x2e: {  	s3 =	simm.s32 @!p0 $0x1082;
	s9 =	sld [smem:$0x3FB7]  }
0x2f: {  	lr =	sadd.s32 s0, s3;
	s0 =	sld [smem:$0x3FAE]  }
0x30: {  	s3 =	sld [smem:$0x3FB1]  }
0x31: {  	[smem:$0x3FBA] =	sst s10  }
0x32: {  	s10 =	sld [smem:$0x3FB8];
	_ =	sdelay $0x3  }
0x33: {  	p0 =	seq.s32 s10, $0x1;
	s10 =	sld [smem:$0x3FBA];
	_ =	sdelay $0x3  }
0x34: {  	[smem:$0x3FBA] =	sst s10  }
0x35: {  	s10 =	sld [smem:$0x3FB9];
	_ =	sdelay $0x3  }
0x36: {  	p1 =	seq.s32 s10, $0x1;
	s10 =	sld [smem:$0x3FBA];
	_ =	sdelay $0x3  }
0x37: {  	[smem:$0x3FBA] =	sst s10  }
0x38: {  	s10 =	sld [smem:$0x3FBB]  }
0x39: {  	_ = 	snop;
	(pc) =	sbr.ind lr, $3  }
0x3a: {  	_ = 	snop  }
0x3b: {  	_ = 	snop  }
0x3c: {  	p2 =	seq.s32 s10, $0x1;
	s10 =	sld [smem:$0x3FBA]  }
0x3d: {  	_ =	shalt  }
0x3e: {  	_ =	shalt  }
0x3f: {  	_ =	shalt  }
0x40: {  	_ =	shalt  }
0x41: {  	_ =	shalt  }
0x42: {  	_ =	shalt  }
0x43: {  	_ =	shalt  }
0x44: {  	_ =	shalt  }
0x45: {  	_ =	shalt  }
0x46: {  	_ =	shalt  }
0x47: {  	_ =	shalt  }
0x48: {  	_ =	shalt  }
0x49: {  	_ =	shalt  }
0x4a: {  	_ =	shalt  }
0x4b: {  	_ =	shalt  }
0x4c: {  	_ =	shalt  }
0x4d: {  	_ =	shalt  }
0x4e: {  	_ =	shalt  }
0x4f: {  	_ =	shalt  }
0x50: {  	_ =	shalt  }
0x51: {  	_ =	shalt  }
0x52: {  	_ =	shalt  }
0x53: {  	_ =	shalt  }
0x54: {  	_ =	shalt  }
0x55: {  	_ =	shalt  }
0x56: {  	_ =	shalt  }
0x57: {  	_ =	shalt  }
0x58: {  	_ =	shalt  }
0x59: {  	_ =	shalt  }
0x5a: {  	_ =	shalt  }
0x5b: {  	_ =	shalt  }
0x5c: {  	_ =	shalt  }
0x5d: {  	_ =	shalt  }
0x5e: {  	_ =	shalt  }
0x5f: {  	_ =	shalt  }
0x60: {  	_ =	shalt  }
0x61: {  	_ =	shalt  }
0x62: {  	_ =	shalt  }
0x63: {  	_ =	shalt  }
0x64: {  	_ =	shalt  }
0x65: {  	_ =	shalt  }
0x66: {  	_ =	shalt  }
0x67: {  	_ =	shalt  }
0x68: {  	_ =	shalt  }
0x69: {  	_ =	shalt  }
0x6a: {  	_ =	shalt  }
0x6b: {  	_ =	shalt  }
0x6c: {  	_ =	shalt  }
0x6d: {  	_ =	shalt  }
0x6e: {  	_ =	shalt  }
0x6f: {  	_ =	shalt  }
0x70: {  	_ =	shalt  }
0x71: {  	_ =	shalt  }
0x72: {  	_ =	shalt  }
0x73: {  	_ =	shalt  }
0x74: {  	_ =	shalt  }
0x75: {  	_ =	shalt  }
0x76: {  	_ =	shalt  }
0x77: {  	_ =	shalt  }
0x78: {  	_ =	shalt  }
0x79: {  	_ =	shalt  }
0x7a: {  	_ =	shalt  }
0x7b: {  	_ =	shalt  }
0x7c: {  	_ =	shalt  }
0x7d: {  	_ =	shalt  }
0x7e: {  	_ =	shalt  }
0x7f: {  	_ =	shalt  }
0x80: {  	_ =	shalt  }
0x81: {  	_ =	shalt  }
0x82: {  	_ =	shalt  }
0x83: {  	_ =	shalt  }
0x84: {  	_ =	shalt  }
0x85: {  	_ =	shalt  }
0x86: {  	_ =	shalt  }
0x87: {  	_ =	shalt  }
.Lfunc_end0:
.L_simem_size_0:
called_computation_lowered:
.L_overlay_start_0:
0x88: {  	s0 =	sld [smem:$0x3FD9]  }
0x89: {  	s1 =	sld [smem:$0x3FFE];
	_ =	sdelay $0x3  }
0x8a: {  	s0 =	sadd.s32 s1, s0  }
0x8b: {  	[smem:$0x3FC6] =	sst s0  }
0x8c: {  	_ = 	snop  }
0x8d: {  	s0 =	sld [smem:$0x3FD0];
	_ =	sdelay $0x2  }
0x8e: {  	s13 =	simm.s32 $0xA;
	s2 =	simm.s32 $0x10  }
0x8f: {  	[smem:s2], [sflag:s13] =	dma.local [hbm:s0], $0x1  }
0x90: {  	_ =	swait.eq [sflag:s13], $0x1  }
0x91: {  	[sflag:s13] =	ssyncset.done $0x0  }
0x92: {  	[sflag:s13] =	ssyncadd.s32 $0xFFFFFFFF  }
0x93: {  	s14 =	sld [smem:$0x10];
	(tm) =	ssettm $0x1  }
0x94: {  	s15 =	sld [smem:$0x3FFB];
	_ =	sdelay $0x3  }
0x95: {  	_ =	strace s15  }
0x96: {  	s1 =	sld [smem:$0x3FFC];
	_ =	sdelay $0x3  }
0x97: {  	_ =	strace s1  }
0x98: {  	s1 =	sld [smem:$0x3FFD];
	_ =	sdelay $0x3  }
0x99: {  	_ =	strace s1  }
0x9a: {  	_ =	strace $0x8FFFFFFF  }
0x9b: {  	s16 =	sld [smem:$0x3FDB];
	_ =	sdelay $0x1  }
0x9c: {  	s17 =	simm.s32 $_scs_section_size  }
0x9d: {  	s3 =	simm.s32 $_size__tile_overlayer_lowered;
	s4 =	simm.s32 $_tile_overlayer_lowered  }
0x9e: {  	s20 =	simm.s32 $0x1BFF;
	s19 =	sshll.u32 s4, $0x1;
	s1 =	sadd.s32 s17, s16  }
0x9f: {  	s5 =	simm.s32 $0x0;
	s18 =	sshll.u32 s3, $0x1;
	s3 =	sadd.s32 s19, s1  }
0xa0: {  	[timem:s5], [sflag:s20] =	dma.local [hbm:s3], s18  }
0xa1: {  	_ =	swait.ge [sflag:s20], s18  }
0xa2: {  	s2 =	ssub.s32 $0x0, s18;
	[sflag:s20] =	ssyncset.done $0x0  }
0xa3: {  	[sflag:s20] =	ssyncadd.s32 s2;
	_ =	sdelay $0x1  }
0xa4: {  	s21 =	simm.s32 $0x1B8B  }
0xa5: {  	_ =	swait.ge [sflag:s21], $0x1  }
0xa6: {  	[sflag:s21] =	ssyncset.done $0x0  }
0xa7: {  	s23 =	simm.s32 $0x1B8E;
	s22 =	sld [smem:$0x3FFE];
	[sflag:s21] =	ssyncadd.s32 $0xFFFFFFFF  }
0xa8: {  	s24 =	simm.s32 $execute0_lowered;
	[smem:$0x3FD2] =	sst s23  }
0xa9: {  	s3 =	sshll.u32 s24, $0x1;
	_ =	strace $0x80000046;
	[dreg:$0x1] =	wrdreg $0xFFFFFFFF  }
0xaa: {  	s25 =	simm.s32 $_size_execute0_lowered;
	s1 =	sadd.s32 s1, s3;
	[dreg:$0x0] =	wrdreg $0x0  }
0xab: {  	s3 =	sshll.u32 s25, $0x1;
	[dreg:$0x2] =	wrdreg s1  }
0xac: {  	[dreg:$0x3] =	wrdreg s3  }
0xad: {  	[dreg:$0x4] =	wrdreg $0xC0  }
0xae: {  	_ =	task [dreg:s5], $0x5FFFF  }
0xaf: {  	[dreg:$0x1] =	wrdreg $0xFFFFFFFF  }
0xb0: {  	[dreg:$0x0] =	wrdreg $0x60  }
0xb1: {  	[dreg:$0x2] =	wrdreg s22  }
0xb2: {  	[dreg:$0x3] =	wrdreg s14  }
0xb3: {  	[dreg:$0x4] =	wrdreg $0x9  }
0xb4: {  	_ =	task.clear_ibuf [dreg:s5], $0x5FFFF;
	_ =	strace $0x90000046  }
0xb5: {  	s26 =	simm.s32 $0x9;
	_ =	strace $0x80000048  }
0xb6: {  	_ =	swait.ge [sflag:s26], $0x1  }
0xb7: {  	[sflag:s26] =	ssyncadd.s32 $0xFFFFFFFF  }
0xb8: {  	_ =	strace $0x90000048  }
0xb9: {  	_ =	sfence  }
0xba: {  	s28 =	sld [smem:$0x0];
	_ =	sdelay $0x1  }
0xbb: {  	s29 =	srdreg.scid  }
0xbc: {  	s30 =	sshll.u32 s29, $0xD;
	s31 =	sshrl.u32 s29, $0x2  }
0xbd: {  	s2 =	sand.u32 $0x4000, s30;
	s1 =	sand.u32 $0x1, s29;
	s0 =	sadd.s32 s31, s28  }
0xbe: {  	s1 =	sor.u32 s2, s1;
	s0 =	sshll.u32 s0, $0x11  }
0xbf: {  	s0 =	sor.u32 s0, s1  }
0xc0: {  	s0 =	sadd.s32 $0x8F2B, s0  }
0xc1: {  	[sflag:s0] =	ssyncadd.remote.s32 $0x1  }
0xc2: {  	_ =	sfence.sel $0xFFFF  }
0xc3: {  	[dreg:$0x0] =	wrdreg $0xFFFFFFFF;
	(pc) =	sbr.abs _section_cstart, $3  }
0xc4: {  	[dreg:$0x1] =	wrdreg $0xFFFFFFFF  }
0xc5: {  	_ =	task.clear_ibuf [dreg:s5], $0x2FFFF;
	_ =	strace $0x9FFFFFFF  }
0xc6: {  	(tm) =	ssettm $0x7FFFFFFF  }
0xc7: {  	_ =	shalt  }
tec
execute0_lowered:
.L_overlay_start_1:
0x0: {  	(tag) =	ssettag $0x1  }
0x1: {  	s0 =	rddreg [dreg:$0x0];
	s1 =	stileid.u32  }
0x2: {  	s2 =	rddreg [dreg:$0x1];
	s3 =	smul.u32 $0x48, s1  }
0x3: {  	s4 =	rddreg [dreg:$0x2];
	s5 =	simm.s32 $0x0  }
0x4: {  	[smem:$0x7FF] =	sst s5;
	s3 =	sadd.s32 s3, s0  }
0x5: {  	s30 =	simm.s32 $0x2;
	_ =	strace $0x80000047;
	s3 =	sadd.s32 $0x2A00, s3  }
0x6: {  	[tilespmem:s5], [sflag:$0x2] =	stream.linear.gather [hbm4b:s3+s5], $0x240, $0x38;
	[tilespmem:$0x9240] =	vst v63  }
0x7: {  	_ =	swait.ge [sflag:s30], $0x240  }
0x8: {  	s6 =	simm.s32 $0x240;
	[sflag:s30] =	ssyncset.done $0x0  }
0x9: {  	s31 =	simm.s32 $0x1;
	s0 =	sadd.s32 $0xA00, s0;
	[sflag:s30] =	ssyncadd.s32 $0xFFFFFDC0  }
0xa: {  	[tilespmem:s6], [sflag:$0x1] =	stream.indirect.gather [hbm4b:s0+s6], $0x40, s5, s6, $0xb8;
	[tilespmem:$0x9240] =	vst v63  }
0xb: {  	s7 =	smul.u32 $0x1200, s1;
	_ =	swait.ge [sflag:s31], $0x9000  }
0xc: {  	[sflag:s31] =	ssyncset.done $0x0  }
0xd: {  	s2 =	sadd.s32 s2, s7;
	[sflag:s31] =	ssyncadd.s32 $0xFFFF7000  }
0xe: {  	[hbm4b:s2+s5] =	stream.linear.scatter [tilespmem:s6], [sflag:$0x2], $0x9000, $0x38;
	[tilespmem:$0x9240] =	vst v63  }
0xf: {  	_ =	swait.ge [sflag:s30], $0x9000  }
0x10: {  	[sflag:s30] =	ssyncset.done $0x0  }
0x11: {  	[sflag:s30] =	ssyncadd.s32 $0xFFFF7000  }
0x12: {  	_ =	sfence.sel $0x180000  }
0x13: {  	[bflag:$0x0] =	sbarrier.arrive $0xFFFF  }
0x14: {  	p0 =	sne.s32 s1, $0x0;
	_ =	strace $0x90000047  }
0x15: {  	s0 =	sadd.s32 @!p0 $0x100000, s4;
	[bflag:$0x2] =	sbarrier.arrive $0xFFFF  }
0x16: {  	[sflag:s0] =	ssyncadd.tile.s32 @!p0 $0x1;
	_ =	shalt  }
.Lfunc_end2:
_tile_overlayer_lowered:
.L_overlay_start_2:
0x17: {  	(tag) =	ssettag $0x2  }
0x18: {  	s0 =	rddreg [dreg:$0x0];
	s2 =	stileid.u32  }
0x19: {  	s1 =	rddreg [dreg:$0x1];
	p0 =	sne.s32 s2, $0x0  }
0x1a: {  	s3 =	rddreg [dreg:$0x2];
	[bflag:$0x3] =	sbarrier.arrive $0xFFFF;
	s2 =	simm.s32 @!p0 $0x1C02  }
0x1b: {  	[timem:s3], [sflag:s2] =	dma.local @!p0 [hbm:s0], s1  }
0x1c: {  	s0 =	simm.s32 @!p0 $0x2  }
0x1d: {  	_ =	swait.ge @!p0 [sflag:s0], s1  }
0x1e: {  	s1 =	ssub.s32 @!p0 $0x0, s1;
	[sflag:s0] =	ssyncset.done @!p0 $0x0  }
0x1f: {  	[sflag:s0] =	ssyncadd.s32 @!p0 s1  }
0x20: {  	[bflag:$0x3] =	sbarrier.arrive $0xFFFF  }
0x21: {  	_ =	shalt  }

</sc_bundles>
